<compile_context>
chip_gen: v7x
topology: tpu7x:2x2x1
jax: 0.10.2.dev20260603
libtpu: 0.0.44.dev20260713+nightly
codegen_flags: <defaults>
</compile_context>

<pallas_src>
import functools

import jax
import jax.numpy as jnp
from jax import lax
from jax.experimental import pallas as pl
from jax.experimental.pallas import tpu as pltpu
from jax.experimental.pallas import tpu_sc as plsc

SIGMA = 1.0
C_NUM = 512
Z_CHANNELS = 64
TILE = 576


def _vq_kernel(x_ref, c_ref, soft_ref, sym_ref, symd_ref, phi_ref,
               caug_ref, kidx_ref):
    x = x_ref[...]
    c = c_ref[...]

    @pl.when(pl.program_id(0) == 0)
    def _build_invariants():
        cn = jnp.sum(c * c, axis=1, keepdims=True)
        ones_k = jnp.ones((c.shape[0], 1), jnp.float32)
        caug_ref[...] = jnp.concatenate([-2.0 * c, cn, ones_k], axis=1)
        kidx_ref[...] = jax.lax.broadcasted_iota(
            jnp.int32, kidx_ref.shape, 1)

    c_aug = caug_ref[...]
    kidx = kidx_ref[...]

    xn = jnp.sum(x * x, axis=1, keepdims=True)
    ones_t = jnp.ones((x.shape[0], 1), jnp.float32)
    x_aug = jnp.concatenate([x, ones_t, xn], axis=1)
    d2 = jax.lax.dot_general(
        x_aug, c_aug, (((1,), (1,)), ((), ())),
        preferred_element_type=jnp.float32,
        precision=jax.lax.Precision.HIGHEST)
    d = jnp.sqrt(jnp.maximum(d2, 0.0))

    mind = jnp.min(d, axis=1, keepdims=True)
    e = jnp.exp(SIGMA * (mind - d))
    phis = e * (1.0 / jnp.sum(e, axis=1, keepdims=True))
    phi_ref[...] = phis

    kb = kidx[:1]
    sym = jnp.min(jnp.where(d == mind, kb, C_NUM), axis=1)
    sym_ref[0, 0] = sym.reshape(24, 24)
    symd_ref[0, 0] = sym

    soft = jax.lax.dot_general(
        phis, c, (((1,), (0,)), ((), ())),
        preferred_element_type=jnp.float32)
    soft_ref[...] = soft


@jax.jit
def kernel(data, centers):
    b, c, h, w = data.shape
    n = b * h * w
    k = centers.shape[0]
    nb = n // TILE
    x = jnp.transpose(data, (0, 2, 3, 1)).reshape(n, c)

    out_shapes = (
        jax.ShapeDtypeStruct((n, c), jnp.float32),
        jax.ShapeDtypeStruct((nb, 1, h, w), jnp.int32),
        jax.ShapeDtypeStruct((nb, 1, TILE), jnp.int32),
        jax.ShapeDtypeStruct((n, k), jnp.float32),
    )
    tok = lambda cols: pl.BlockSpec((TILE, cols), lambda i: (i, 0))
    soft, sym, symd, phis = pl.pallas_call(
        _vq_kernel,
        grid=(nb,),
        in_specs=[
            tok(c),
            pl.BlockSpec((k, c), lambda i: (0, 0)),
        ],
        out_specs=(
            tok(c),
            pl.BlockSpec((1, 1, h, w), lambda i: (i, 0, 0, 0)),
            pl.BlockSpec((1, 1, TILE), lambda i: (i, 0, 0)),
            tok(k),
        ),
        out_shape=out_shapes,
        scratch_shapes=[
            pltpu.VMEM((k, c + 2), jnp.float32),
            pltpu.VMEM((8, k), jnp.int32),
        ],
    )(x, centers)

    info = plsc.get_sparse_core_info()
    nw = info.num_cores * info.num_subcores
    b_per_w = n // nw
    mesh = plsc.VectorSubcoreMesh(core_axis_name="c", subcore_axis_name="s")

    @functools.partial(
        pl.kernel, mesh=mesh,
        out_type=[
            jax.ShapeDtypeStruct((n, 128), jnp.float32),
            jax.ShapeDtypeStruct((n, 128), jnp.float32),
        ],
        scratch_types=[
            pltpu.VMEM((b_per_w,), jnp.int32),
            pltpu.VMEM((b_per_w, 128), jnp.float32),
            pltpu.SemaphoreType.DMA,
        ],
    )
    def _sc_gather(table_hbm, idx_hbm, hard_hbm, zbar_hbm, idx_v, rows_v, sem):
        wid = lax.axis_index("s") * info.num_cores + lax.axis_index("c")
        base = wid * b_per_w
        pltpu.sync_copy(idx_hbm.at[pl.ds(base, b_per_w)], idx_v)
        pltpu.async_copy(table_hbm.at[idx_v], rows_v, sem).wait()
        pltpu.sync_copy(rows_v, hard_hbm.at[pl.ds(base, b_per_w)])
        pltpu.sync_copy(rows_v, zbar_hbm.at[pl.ds(base, b_per_w)])

    table128 = jnp.pad(centers, ((0, 0), (0, 128 - c)))
    hard128, zbar128 = _sc_gather(table128, symd.reshape(n))
    hard, zbar = hard128[:, :c], zbar128[:, :c]

    def to_bchw(a, ch):
        return jnp.transpose(a.reshape(b, h, w, ch), (0, 3, 1, 2))

    return (to_bchw(zbar, c), to_bchw(soft, c), to_bchw(hard, c),
            sym, to_bchw(phis, k))

# --- scband reference (transcript-rebuilt; emitter-appended) ---
"""Pipeline reference for scband-vquantizer-59734405153291 (READ-ONLY COPY).

The authoritative reference and input builder live on the scoring server;
editing this copy changes nothing except your own understanding.
"""

import jax, jax.numpy as jnp
import numpy as np

SIGMA = 1.0
C_NUM = 512
Z_CHANNELS = 64


def setup_inputs(seed: int = 0) -> dict:
    key = jax.random.key(seed)
    k1, k2 = jax.random.split(key)
    data = jax.random.normal(k1, (8, 64, 24, 24), dtype=jnp.float32)
    centers = jax.random.uniform(k2, (C_NUM, Z_CHANNELS), dtype=jnp.float32, minval=-1.0, maxval=1.0)
    return {"data": data, "centers": centers}


def reference(data, centers):
    b, c, h, w = data.shape
    x = jnp.transpose(data, (0, 2, 3, 1)).reshape(-1, c)          # (N, c)
    cT = centers.T                                                 # (c, K)
    diff = x[:, :, None] - cT[None, :, :]                          # (N, c, K)
    dist = jnp.sqrt(jnp.sum(diff * diff, axis=1))                  # (N, K)  == torch.norm(.,2,dim=1)
    phisoft = jax.nn.softmax(-SIGMA * dist, axis=-1)               # (N, K)
    symbols = jnp.argmin(dist, axis=-1)                            # (N,)
    softout = jnp.sum(phisoft[:, None, :] * cT[None, :, :], axis=-1)  # (N, c)
    hardout = jnp.take(centers, symbols, axis=0)                   # (N, c)
    zbar = softout + jax.lax.stop_gradient(hardout - softout)

    def _to_bchw(dt):
        return jnp.transpose(dt.reshape(b, h, w, -1), (0, 3, 1, 2))

    return tuple(map(_to_bchw, (zbar, softout, hardout, symbols, phisoft)))

if __name__ == "__main__":
    import jax
    _d = setup_inputs()
    print(jax.jit(kernel)(*tuple(_d.values())))

</pallas_src>

<mosaic_0001>
#map = affine_map<(d0, d1) -> (0, 0)>
#map1 = affine_map<(d0, d1) -> (0)>
module attributes {stable_mosaic.version = 14 : i64} {
  func.func @_sc_gather(%arg0: i32, %arg1: i32, %arg2: memref<512x128xf32, #tpu.memory_space<hbm>>, %arg3: memref<4608xi32, #tpu.memory_space<hbm>>, %arg4: memref<4608x128xf32, #tpu.memory_space<hbm>>, %arg5: memref<4608x128xf32, #tpu.memory_space<hbm>>, %arg6: memref<144xi32, #tpu.memory_space<vmem>>, %arg7: memref<144x128xf32, #tpu.memory_space<vmem>>, %arg8: memref<!tpu.dma_semaphore, #tpu.memory_space<semaphore_mem>>) attributes {dimension_semantics = [#tpu.dimension_semantics<core_parallel>, #tpu.dimension_semantics<subcore_parallel>], iteration_bounds = array<i64: 2, 16>, scalar_prefetch = 0 : i64, scratch_operands = 3 : i64, tpu.core_type = #tpu.core_type<sc_vector_subcore>, window_params = [{transform_indices = #map}, {transform_indices = #map1}, {transform_indices = #map}, {transform_indices = #map}]} {
    %mul3A = arith.constant 2 : i32
    %mul3A_0 = arith.muli %arg1, %mul3A : i32
    %add3A = arith.addi %mul3A_0, %arg0 : i32
    %mul3A_1 = arith.constant 144 : i32
    %mul3A_2 = arith.muli %add3A, %mul3A_1 : i32
    "tpu.region"() ({
      %run_scoped3A = tpu.sem_alloc : memref<!tpu.dma_semaphore, #tpu.memory_space<semaphore_mem>>
      %dma_start3A_7 = tpu.memref_slice %arg3[%mul3A_2] : memref<4608xi32, #tpu.memory_space<hbm>> -> memref<144xi32, #tpu.memory_space<hbm>>
      %dma_start3A_8 = tpu.memref_slice %arg3[%mul3A_2] : memref<4608xi32, #tpu.memory_space<hbm>> -> memref<144xi32, #tpu.memory_space<hbm>>
      tpu.enqueue_dma source(%dma_start3A_8 : memref<144xi32, #tpu.memory_space<hbm>>) target(%arg6 : memref<144xi32, #tpu.memory_space<vmem>>) target_semaphore(%run_scoped3A : memref<!tpu.dma_semaphore, #tpu.memory_space<semaphore_mem>>)
      %dma_wait3A_9 = tpu.memref_slice %arg3[%mul3A_2] : memref<4608xi32, #tpu.memory_space<hbm>> -> memref<144xi32, #tpu.memory_space<hbm>>
      %dma_wait3A_10 = tpu.memref_slice %arg3[%mul3A_2] : memref<4608xi32, #tpu.memory_space<hbm>> -> memref<144xi32, #tpu.memory_space<hbm>>
      tpu.wait_dma2 semaphore(%run_scoped3A : memref<!tpu.dma_semaphore, #tpu.memory_space<semaphore_mem>>) src(%dma_wait3A_10 : memref<144xi32, #tpu.memory_space<hbm>>) dst(%arg6 : memref<144xi32, #tpu.memory_space<vmem>>)
      tpu.yield
    }) : () -> ()
    %dma_start3A = arith.constant 0 : i32
    %dma_start3A_3 = arith.constant 0 : i32
    %dma_start3A_4 = tpu.memref_slice %arg2[%dma_start3A, %dma_start3A_3] : memref<512x128xf32, #tpu.memory_space<hbm>> -> memref<512x128xf32, #tpu.memory_space<hbm>>
    tpu.enqueue_indirect_dma source(%dma_start3A_4 : memref<512x128xf32, #tpu.memory_space<hbm>>) target(%arg7 : memref<144x128xf32, #tpu.memory_space<vmem>>) offsets(%arg6 : memref<144xi32, #tpu.memory_space<vmem>>) semaphore(%arg8 : memref<!tpu.dma_semaphore, #tpu.memory_space<semaphore_mem>>)
    %dma_wait3A = arith.constant 0 : i32
    %dma_wait3A_5 = arith.constant 0 : i32
    %dma_wait3A_6 = tpu.memref_slice %arg2[%dma_wait3A, %dma_wait3A_5] : memref<512x128xf32, #tpu.memory_space<hbm>> -> memref<512x128xf32, #tpu.memory_space<hbm>>
    tpu.wait_indirect_dma semaphore(%arg8 : memref<!tpu.dma_semaphore, #tpu.memory_space<semaphore_mem>>) src(%dma_wait3A_6 : memref<512x128xf32, #tpu.memory_space<hbm>>) dst(%arg7 : memref<144x128xf32, #tpu.memory_space<vmem>>)
    "tpu.region"() ({
      %run_scoped3A = tpu.sem_alloc : memref<!tpu.dma_semaphore, #tpu.memory_space<semaphore_mem>>
      %dma_start3A_7 = arith.constant 0 : i32
      %dma_start3A_8 = tpu.memref_slice %arg4[%mul3A_2, %dma_start3A_7] : memref<4608x128xf32, #tpu.memory_space<hbm>> -> memref<144x128xf32, #tpu.memory_space<hbm>>
      %dma_start3A_9 = arith.constant 0 : i32
      %dma_start3A_10 = tpu.memref_slice %arg4[%mul3A_2, %dma_start3A_9] : memref<4608x128xf32, #tpu.memory_space<hbm>> -> memref<144x128xf32, #tpu.memory_space<hbm>>
      tpu.enqueue_dma source(%arg7 : memref<144x128xf32, #tpu.memory_space<vmem>>) target(%dma_start3A_10 : memref<144x128xf32, #tpu.memory_space<hbm>>) target_semaphore(%run_scoped3A : memref<!tpu.dma_semaphore, #tpu.memory_space<semaphore_mem>>)
      %dma_wait3A_11 = arith.constant 0 : i32
      %dma_wait3A_12 = tpu.memref_slice %arg4[%mul3A_2, %dma_wait3A_11] : memref<4608x128xf32, #tpu.memory_space<hbm>> -> memref<144x128xf32, #tpu.memory_space<hbm>>
      %dma_wait3A_13 = arith.constant 0 : i32
      %dma_wait3A_14 = tpu.memref_slice %arg4[%mul3A_2, %dma_wait3A_13] : memref<4608x128xf32, #tpu.memory_space<hbm>> -> memref<144x128xf32, #tpu.memory_space<hbm>>
      tpu.wait_dma2 semaphore(%run_scoped3A : memref<!tpu.dma_semaphore, #tpu.memory_space<semaphore_mem>>) src(%arg7 : memref<144x128xf32, #tpu.memory_space<vmem>>) dst(%dma_wait3A_14 : memref<144x128xf32, #tpu.memory_space<hbm>>)
      tpu.yield
    }) : () -> ()
    "tpu.region"() ({
      %run_scoped3A = tpu.sem_alloc : memref<!tpu.dma_semaphore, #tpu.memory_space<semaphore_mem>>
      %dma_start3A_7 = arith.constant 0 : i32
      %dma_start3A_8 = tpu.memref_slice %arg5[%mul3A_2, %dma_start3A_7] : memref<4608x128xf32, #tpu.memory_space<hbm>> -> memref<144x128xf32, #tpu.memory_space<hbm>>
      %dma_start3A_9 = arith.constant 0 : i32
      %dma_start3A_10 = tpu.memref_slice %arg5[%mul3A_2, %dma_start3A_9] : memref<4608x128xf32, #tpu.memory_space<hbm>> -> memref<144x128xf32, #tpu.memory_space<hbm>>
      tpu.enqueue_dma source(%arg7 : memref<144x128xf32, #tpu.memory_space<vmem>>) target(%dma_start3A_10 : memref<144x128xf32, #tpu.memory_space<hbm>>) target_semaphore(%run_scoped3A : memref<!tpu.dma_semaphore, #tpu.memory_space<semaphore_mem>>)
      %dma_wait3A_11 = arith.constant 0 : i32
      %dma_wait3A_12 = tpu.memref_slice %arg5[%mul3A_2, %dma_wait3A_11] : memref<4608x128xf32, #tpu.memory_space<hbm>> -> memref<144x128xf32, #tpu.memory_space<hbm>>
      %dma_wait3A_13 = arith.constant 0 : i32
      %dma_wait3A_14 = tpu.memref_slice %arg5[%mul3A_2, %dma_wait3A_13] : memref<4608x128xf32, #tpu.memory_space<hbm>> -> memref<144x128xf32, #tpu.memory_space<hbm>>
      tpu.wait_dma2 semaphore(%run_scoped3A : memref<!tpu.dma_semaphore, #tpu.memory_space<semaphore_mem>>) src(%arg7 : memref<144x128xf32, #tpu.memory_space<vmem>>) dst(%dma_wait3A_14 : memref<144x128xf32, #tpu.memory_space<hbm>>)
      tpu.yield
    }) : () -> ()
    return
  }
}

module attributes {stable_mosaic.version = 14 : i64} {
  func.func @_vq_kernel(%arg0: i32, %arg1: memref<576x64xf32, #tpu.memory_space<vmem>>, %arg2: memref<512x64xf32, #tpu.memory_space<vmem>>, %arg3: memref<576x64xf32, #tpu.memory_space<vmem>>, %arg4: memref<1x1x24x24xi32, #tpu.memory_space<vmem>>, %arg5: memref<1x1x576xi32, #tpu.memory_space<vmem>>, %arg6: memref<576x512xf32, #tpu.memory_space<vmem>>, %arg7: memref<512x66xf32, #tpu.memory_space<vmem>>, %arg8: memref<8x512xi32, #tpu.memory_space<vmem>>) attributes {dimension_semantics = [#tpu.dimension_semantics<arbitrary>], iteration_bounds = array<i64: 8>, scalar_prefetch = 0 : i64, scratch_operands = 2 : i64, tpu.core_type = #tpu.core_type<tc>, window_params = [{transform_indices = @transform_0, window_bounds = array<i64: 576, 64>}, {pipeline_mode = #tpu.pipeline_mode<synchronous>, transform_indices = @transform_1, window_bounds = array<i64: 512, 64>}, {transform_indices = @transform_2, window_bounds = array<i64: 576, 64>}, {transform_indices = @transform_3, window_bounds = array<i64: 1, 1, 24, 24>}, {transform_indices = @transform_4, window_bounds = array<i64: 1, 1, 576>}, {transform_indices = @transform_5, window_bounds = array<i64: 576, 512>}]} {
    %get3A = arith.constant 0 : index
    %get3A_0 = arith.constant 0 : index
    %get3A_1 = vector.load %arg1[%get3A, %get3A_0] : memref<576x64xf32, #tpu.memory_space<vmem>>, vector<576x64xf32>
    %get3A_2 = arith.constant 0 : index
    %get3A_3 = arith.constant 0 : index
    %get3A_4 = vector.load %arg2[%get3A_2, %get3A_3] : memref<512x64xf32, #tpu.memory_space<vmem>>, vector<512x64xf32>
    %eq3A = arith.constant 0 : i32
    %eq3A_5 = arith.cmpi eq, %arg0, %eq3A : i32
    %convert_element_type3A = arith.extui %eq3A_5 : i1 to i32
    %cond3A = arith.constant 0 : i32
    %cond3A_6 = arith.cmpi ne, %convert_element_type3A, %cond3A : i32
    scf.if %cond3A_6 {
      %mul3A_59 = arith.mulf %get3A_4, %get3A_4 : vector<512x64xf32>
      %reduce_sum3A_60 = arith.constant dense<0.000000e+00> : vector<512xf32>
      %reduce_sum3A_61 = vector.multi_reduction <add>, %mul3A_59, %reduce_sum3A_60 [1] : vector<512x64xf32> to vector<512xf32>
      %broadcast_in_dim3A_62 = vector.shape_cast %reduce_sum3A_61 : vector<512xf32> to vector<512x1xf32>
      %broadcast_in_dim3A_63 = arith.constant 1.000000e+00 : f32
      %broadcast_in_dim3A_64 = vector.broadcast %broadcast_in_dim3A_63 : f32 to vector<512x1xf32>
      %mul3A_65 = arith.constant -2.000000e+00 : f32
      %mul3A_66 = vector.broadcast %mul3A_65 : f32 to vector<512x64xf32>
      %mul3A_67 = arith.mulf %mul3A_66, %get3A_4 : vector<512x64xf32>
      %concatenate3A_68 = tpu.concatenate %mul3A_67, %broadcast_in_dim3A_62, %broadcast_in_dim3A_64 in 1 : vector<512x64xf32>, vector<512x1xf32>, vector<512x1xf32> -> vector<512x66xf32>
      %swap3A_69 = arith.constant 0 : index
      %swap3A_70 = arith.constant 0 : index
      %swap3A_71 = vector.load %arg7[%swap3A_69, %swap3A_70] : memref<512x66xf32, #tpu.memory_space<vmem>>, vector<512x66xf32>
      tpu.vector_store %arg7[%swap3A_69, %swap3A_70], %concatenate3A_68 {strides = array<i32>} : memref<512x66xf32, #tpu.memory_space<vmem>>, vector<512x66xf32>,
      %iota3A = tpu.iota {dimensions = array<i32: 1>} : vector<8x512xi32>
      %swap3A_72 = arith.constant 0 : index
      %swap3A_73 = arith.constant 0 : index
      %swap3A_74 = vector.load %arg8[%swap3A_72, %swap3A_73] : memref<8x512xi32, #tpu.memory_space<vmem>>, vector<8x512xi32>
      tpu.vector_store %arg8[%swap3A_72, %swap3A_73], %iota3A {strides = array<i32>} : memref<8x512xi32, #tpu.memory_space<vmem>>, vector<8x512xi32>,
    } else {
    }
    %get3A_7 = arith.constant 0 : index
    %get3A_8 = arith.constant 0 : index
    %get3A_9 = vector.load %arg7[%get3A_7, %get3A_8] : memref<512x66xf32, #tpu.memory_space<vmem>>, vector<512x66xf32>
    %get3A_10 = arith.constant 0 : index
    %get3A_11 = arith.constant 0 : index
    %get3A_12 = vector.load %arg8[%get3A_10, %get3A_11] : memref<8x512xi32, #tpu.memory_space<vmem>>, vector<8x512xi32>
    %mul3A = arith.mulf %get3A_1, %get3A_1 : vector<576x64xf32>
    %reduce_sum3A = arith.constant dense<0.000000e+00> : vector<576xf32>
    %reduce_sum3A_13 = vector.multi_reduction <add>, %mul3A, %reduce_sum3A [1] : vector<576x64xf32> to vector<576xf32>
    %broadcast_in_dim3A = vector.shape_cast %reduce_sum3A_13 : vector<576xf32> to vector<576x1xf32>
    %broadcast_in_dim3A_14 = arith.constant 1.000000e+00 : f32
    %broadcast_in_dim3A_15 = vector.broadcast %broadcast_in_dim3A_14 : f32 to vector<576x1xf32>
    %concatenate3A = tpu.concatenate %get3A_1, %broadcast_in_dim3A_15, %broadcast_in_dim3A in 1 : vector<576x64xf32>, vector<576x1xf32>, vector<576x1xf32> -> vector<576x66xf32>
    %dot_general3A = arith.constant dense<0.000000e+00> : vector<576x512xf32>
    %dot_general3A_16 = tpu.matmul %concatenate3A, %get3A_9, %dot_general3A {dimension_numbers = #tpu.dot_dimension_numbers<[1], [1], [0], [0], [0, 0, 1, 0], [], []>, precision = #tpu.contract_precision<fp32>, transpose_lhs_hint = false} : vector<576x66xf32>, vector<512x66xf32>, vector<576x512xf32> -> vector<576x512xf32>
    %max3A = arith.constant 0.000000e+00 : f32
    %max3A_17 = vector.broadcast %max3A : f32 to vector<576x512xf32>
    %max3A_18 = arith.maximumf %dot_general3A_16, %max3A_17 : vector<576x512xf32>
    %sqrt3A = math.sqrt %max3A_18 : vector<576x512xf32>
    %reduce_min3A = arith.constant dense<0x7F800000> : vector<576xf32>
    %reduce_min3A_19 = vector.multi_reduction <minimumf>, %sqrt3A, %reduce_min3A [1] : vector<576x512xf32> to vector<576xf32>
    %broadcast_in_dim3A_20 = vector.shape_cast %reduce_min3A_19 : vector<576xf32> to vector<576x1xf32>
    %sub3A = vector.broadcast %broadcast_in_dim3A_20 : vector<576x1xf32> to vector<576x512xf32>
    %sub3A_21 = arith.subf %sub3A, %sqrt3A : vector<576x512xf32>
    %mul3A_22 = arith.constant 1.000000e+00 : f32
    %mul3A_23 = vector.broadcast %mul3A_22 : f32 to vector<576x512xf32>
    %mul3A_24 = arith.mulf %mul3A_23, %sub3A_21 : vector<576x512xf32>
    %exp3A = math.exp %mul3A_24 : vector<576x512xf32>
    %reduce_sum3A_25 = arith.constant dense<0.000000e+00> : vector<576xf32>
    %reduce_sum3A_26 = vector.multi_reduction <add>, %exp3A, %reduce_sum3A_25 [1] : vector<576x512xf32> to vector<576xf32>
    %broadcast_in_dim3A_27 = vector.shape_cast %reduce_sum3A_26 : vector<576xf32> to vector<576x1xf32>
    %div3A = arith.constant 1.000000e+00 : f32
    %div3A_28 = vector.broadcast %div3A : f32 to vector<576x1xf32>
    %div3A_29 = arith.divf %div3A_28, %broadcast_in_dim3A_27 : vector<576x1xf32>
    %mul3A_30 = vector.broadcast %div3A_29 : vector<576x1xf32> to vector<576x512xf32>
    %mul3A_31 = arith.mulf %exp3A, %mul3A_30 : vector<576x512xf32>
    %swap3A = arith.constant 0 : index
    %swap3A_32 = arith.constant 0 : index
    %swap3A_33 = vector.load %arg6[%swap3A, %swap3A_32] : memref<576x512xf32, #tpu.memory_space<vmem>>, vector<576x512xf32>
    tpu.vector_store %arg6[%swap3A, %swap3A_32], %mul3A_31 {strides = array<i32>} : memref<576x512xf32, #tpu.memory_space<vmem>>, vector<576x512xf32>,
    %slice3A = vector.extract_strided_slice %get3A_12 {offsets = [0, 0], sizes = [1, 512], strides = [1, 1]} : vector<8x512xi32> to vector<1x512xi32>
    %eq3A_34 = vector.broadcast %broadcast_in_dim3A_20 : vector<576x1xf32> to vector<576x512xf32>
    %eq3A_35 = arith.cmpf oeq, %sqrt3A, %eq3A_34 : vector<576x512xf32>
    %jit3A = arith.constant 512 : i32
    %broadcast_in_dim3A_36 = vector.shape_cast %slice3A : vector<1x512xi32> to vector<1x512xi32>
    %broadcast_in_dim3A_37 = vector.broadcast %broadcast_in_dim3A_36 : vector<1x512xi32> to vector<576x512xi32>
    %broadcast_in_dim3A_38 = vector.broadcast %jit3A : i32 to vector<576x512xi32>
    %select_n3A = arith.select %eq3A_35, %broadcast_in_dim3A_37, %broadcast_in_dim3A_38 : vector<576x512xi1>, vector<576x512xi32>
    %reduce_min3A_39 = arith.constant dense<2147483647> : vector<576xi32>
    %reduce_min3A_40 = vector.multi_reduction <minsi>, %select_n3A, %reduce_min3A_39 [1] : vector<576x512xi32> to vector<576xi32>
    %reshape3A = vector.shape_cast %reduce_min3A_40 : vector<576xi32> to vector<24x24xi32>
    %swap3A_41 = arith.constant 0 : index
    %swap3A_42 = arith.constant 0 : index
    %swap3A_43 = arith.constant 0 : index
    %swap3A_44 = arith.constant 0 : index
    %swap3A_45 = vector.load %arg4[%swap3A_41, %swap3A_42, %swap3A_43, %swap3A_44] : memref<1x1x24x24xi32, #tpu.memory_space<vmem>>, vector<1x1x24x24xi32>
    %swap3A_46 = vector.shape_cast %swap3A_45 : vector<1x1x24x24xi32> to vector<24x24xi32>
    %swap3A_47 = vector.shape_cast %reshape3A : vector<24x24xi32> to vector<1x1x24x24xi32>
    tpu.vector_store %arg4[%swap3A_41, %swap3A_42, %swap3A_43, %swap3A_44], %swap3A_47 {strides = array<i32>} : memref<1x1x24x24xi32, #tpu.memory_space<vmem>>, vector<1x1x24x24xi32>,
    %swap3A_48 = arith.constant 0 : index
    %swap3A_49 = arith.constant 0 : index
    %swap3A_50 = arith.constant 0 : index
    %swap3A_51 = vector.load %arg5[%swap3A_48, %swap3A_49, %swap3A_50] : memref<1x1x576xi32, #tpu.memory_space<vmem>>, vector<1x1x576xi32>
    %swap3A_52 = vector.shape_cast %swap3A_51 : vector<1x1x576xi32> to vector<576xi32>
    %swap3A_53 = vector.shape_cast %reduce_min3A_40 : vector<576xi32> to vector<1x1x576xi32>
    tpu.vector_store %arg5[%swap3A_48, %swap3A_49, %swap3A_50], %swap3A_53 {strides = array<i32>} : memref<1x1x576xi32, #tpu.memory_space<vmem>>, vector<1x1x576xi32>,
    %dot_general3A_54 = arith.constant dense<0.000000e+00> : vector<576x64xf32>
    %dot_general3A_55 = tpu.matmul %mul3A_31, %get3A_4, %dot_general3A_54 {dimension_numbers = #tpu.dot_dimension_numbers<[1], [0], [0], [1], [0, 0, 1, 1], [], []>, transpose_lhs_hint = false} : vector<576x512xf32>, vector<512x64xf32>, vector<576x64xf32> -> vector<576x64xf32>
    %swap3A_56 = arith.constant 0 : index
    %swap3A_57 = arith.constant 0 : index
    %swap3A_58 = vector.load %arg3[%swap3A_56, %swap3A_57] : memref<576x64xf32, #tpu.memory_space<vmem>>, vector<576x64xf32>
    tpu.vector_store %arg3[%swap3A_56, %swap3A_57], %dot_general3A_55 {strides = array<i32>} : memref<576x64xf32, #tpu.memory_space<vmem>>, vector<576x64xf32>,
    return
  }
  func.func @transform_0(%arg0: i32) -> (i32, i32) {
    %c0_i32 = arith.constant 0 : i32
    %c0_i32_0 = arith.constant 0 : i32
    return %arg0, %c0_i32 : i32, i32
  }
  func.func @transform_1(%arg0: i32) -> (i32, i32) {
    %c0_i32 = arith.constant 0 : i32
    %c0_i32_0 = arith.constant 0 : i32
    %c0_i32_1 = arith.constant 0 : i32
    return %c0_i32, %c0_i32_0 : i32, i32
  }
  func.func @transform_2(%arg0: i32) -> (i32, i32) {
    %c0_i32 = arith.constant 0 : i32
    %c0_i32_0 = arith.constant 0 : i32
    return %arg0, %c0_i32 : i32, i32
  }
  func.func @transform_3(%arg0: i32) -> (i32, i32, i32, i32) {
    %c0_i32 = arith.constant 0 : i32
    %c0_i32_0 = arith.constant 0 : i32
    %c0_i32_1 = arith.constant 0 : i32
    %c0_i32_2 = arith.constant 0 : i32
    return %arg0, %c0_i32, %c0_i32_0, %c0_i32_1 : i32, i32, i32, i32
  }
  func.func @transform_4(%arg0: i32) -> (i32, i32, i32) {
    %c0_i32 = arith.constant 0 : i32
    %c0_i32_0 = arith.constant 0 : i32
    %c0_i32_1 = arith.constant 0 : i32
    return %arg0, %c0_i32, %c0_i32_0 : i32, i32, i32
  }
  func.func @transform_5(%arg0: i32) -> (i32, i32) {
    %c0_i32 = arith.constant 0 : i32
    %c0_i32_0 = arith.constant 0 : i32
    return %arg0, %c0_i32 : i32, i32
  }
}

</mosaic_0001>

<sc_bundles>
// kernel: kernel.4.cloned.1.call-start
scs
__scs_entry_jumppad:
0x0: {  	(pc) =	sbr.rel $0x88, $3  }
0x1: {  	(tag) =	ssettag $0x0;
	lr =	simm.s32 $0x1  }
0x2: {  	[smem:$0x3F9F] =	sst lr;
	_ =	strace $0xD0000000  }
0x3: {  	_ = 	snop  }
0x4: {  	_ = 	snop  }
0x5: {  	_ = 	snop  }
0x6: {  	_ = 	snop  }
0x7: {  	_ = 	snop  }
__scs_overlays_trampoline_lowered:
0x8: {  	[smem:$0x3FAE] =	sst s0  }
0x9: {  	[smem:$0x3FAF] =	sst s1  }
0xa: {  	[smem:$0x3FB0] =	sst s2  }
0xb: {  	[smem:$0x3FB1] =	sst s3  }
0xc: {  	[smem:$0x3FB2] =	sst s4  }
0xd: {  	[smem:$0x3FB3] =	sst s5  }
0xe: {  	[smem:$0x3FB4] =	sst s6  }
0xf: {  	[smem:$0x3FB5] =	sst s7  }
0x10: {  	[smem:$0x3FB6] =	sst s8  }
0x11: {  	[smem:$0x3FB7] =	sst s9;
	s0 =	simm.s32 @!p0 $0x0  }
0x12: {  	s1 =	sld [smem:$0x3F9D];
	s0 =	simm.s32 @p0 $0x1  }
0x13: {  	[smem:$0x3FB8] =	sst s0;
	s0 =	simm.s32 @!p1 $0x0  }
0x14: {  	s2 =	sld [smem:$0x3F9C];
	s0 =	simm.s32 @p1 $0x1  }
0x15: {  	[smem:$0x3FB9] =	sst s0;
	s0 =	simm.s32 @!p2 $0x0  }
0x16: {  	s3 =	sld [smem:$0x3FDB];
	s0 =	simm.s32 @p2 $0x1  }
0x17: {  	s4 =	simm.s32 $0x1BF5;
	[smem:$0x3FBB] =	sst s0  }
0x18: {  	s0 =	sld [smem:$0x3F9E];
	_ =	swait.ge [sflag:s4], $0x0  }
0x19: {  	s7 =	sld [smem:$0x3F9F]  }
0x1a: {  	s8 =	sadd.s32 $0xFFFFE003, lr  }
0x1b: {  	s9 =	sadd.s32 $0xFFFFFEF7, lr;
	s5 =	simm.s32 $0xFFFFFFFF;
	p2 =	slt.u32 s8, $0xFFFFF086  }
0x1c: {  	p1 =	slt.u32 s9, $0xF7A;
	s5 =	simm.s32 @!p2 $0x0  }
0x1d: {  	s5 =	simm.s32 @p1 $0x1;
	p0 =	seq.s32 s7, s2  }
0x1e: {  	s7 =	smul.u32 @!p0 $0xF7A, s2;
	p2 =	seq.s32 @!p0 s5, $0x0  }
0x1f: {  	s9 =	smul.u32 $0xF7A, s1;
	s8 =	simm.s32 @!p0 $0x1BF5;
	p2 =	por !p2, p0  }
0x20: {  	[sflag:s8] =	ssyncset.s32 @!p0 $0xFFFFF086;
	s6 =	sadd.s32 @!p0 s3, s7;
	s7 =	simm.s32 @!p0 $0x108  }
0x21: {  	s3 =	sadd.s32 s3, s9;
	s6 =	sadd.s32 @!p0 $0x88, s6;
	s7 =	simm.s32 @p2 $0x1082  }
0x22: {  	[simem:s7], [sflag:s8] =	dma.local @!p0 [hbm:s6], $0xF7A  }
0x23: {  	s9 =	sor.u32 $0xD0000000, s2;
	s6 =	simm.s32 $0x108;
	_ =	swait.ge @!p0 [sflag:s8], $0x0  }
0x24: {  	s3 =	sadd.s32 $0x88, s3;
	s6 =	simm.s32 @!p1 $0x1082;
	[sflag:s4] =	ssyncset.s32 $0xFFFFF086  }
0x25: {  	[simem:s6], [sflag:s4] =	dma.local [hbm:s3], $0xF7A  }
0x26: {  	[smem:$0x3F9F] =	sst s1;
	(tag) =	ssettag s2;
	_ =	strace s9  }
0x27: {  	s1 =	sld [smem:$0x3FAF]  }
0x28: {  	s2 =	sld [smem:$0x3FB0]  }
0x29: {  	s4 =	sld [smem:$0x3FB2]  }
0x2a: {  	p0 =	seq.s32 s5, $0x0;
	s5 =	sld [smem:$0x3FB3]  }
0x2b: {  	s6 =	sld [smem:$0x3FB4]  }
0x2c: {  	s7 =	sld [smem:$0x3FB5]  }
0x2d: {  	s3 =	simm.s32 $0x108;
	s8 =	sld [smem:$0x3FB6]  }
0x2e: {  	s3 =	simm.s32 @!p0 $0x1082;
	s9 =	sld [smem:$0x3FB7]  }
0x2f: {  	lr =	sadd.s32 s0, s3;
	s0 =	sld [smem:$0x3FAE]  }
0x30: {  	s3 =	sld [smem:$0x3FB1]  }
0x31: {  	[smem:$0x3FBA] =	sst s10  }
0x32: {  	s10 =	sld [smem:$0x3FB8];
	_ =	sdelay $0x3  }
0x33: {  	p0 =	seq.s32 s10, $0x1;
	s10 =	sld [smem:$0x3FBA];
	_ =	sdelay $0x3  }
0x34: {  	[smem:$0x3FBA] =	sst s10  }
0x35: {  	s10 =	sld [smem:$0x3FB9];
	_ =	sdelay $0x3  }
0x36: {  	p1 =	seq.s32 s10, $0x1;
	s10 =	sld [smem:$0x3FBA];
	_ =	sdelay $0x3  }
0x37: {  	[smem:$0x3FBA] =	sst s10  }
0x38: {  	s10 =	sld [smem:$0x3FBB]  }
0x39: {  	_ = 	snop;
	(pc) =	sbr.ind lr, $3  }
0x3a: {  	_ = 	snop  }
0x3b: {  	_ = 	snop  }
0x3c: {  	p2 =	seq.s32 s10, $0x1;
	s10 =	sld [smem:$0x3FBA]  }
0x3d: {  	_ =	shalt  }
0x3e: {  	_ =	shalt  }
0x3f: {  	_ =	shalt  }
0x40: {  	_ =	shalt  }
0x41: {  	_ =	shalt  }
0x42: {  	_ =	shalt  }
0x43: {  	_ =	shalt  }
0x44: {  	_ =	shalt  }
0x45: {  	_ =	shalt  }
0x46: {  	_ =	shalt  }
0x47: {  	_ =	shalt  }
0x48: {  	_ =	shalt  }
0x49: {  	_ =	shalt  }
0x4a: {  	_ =	shalt  }
0x4b: {  	_ =	shalt  }
0x4c: {  	_ =	shalt  }
0x4d: {  	_ =	shalt  }
0x4e: {  	_ =	shalt  }
0x4f: {  	_ =	shalt  }
0x50: {  	_ =	shalt  }
0x51: {  	_ =	shalt  }
0x52: {  	_ =	shalt  }
0x53: {  	_ =	shalt  }
0x54: {  	_ =	shalt  }
0x55: {  	_ =	shalt  }
0x56: {  	_ =	shalt  }
0x57: {  	_ =	shalt  }
0x58: {  	_ =	shalt  }
0x59: {  	_ =	shalt  }
0x5a: {  	_ =	shalt  }
0x5b: {  	_ =	shalt  }
0x5c: {  	_ =	shalt  }
0x5d: {  	_ =	shalt  }
0x5e: {  	_ =	shalt  }
0x5f: {  	_ =	shalt  }
0x60: {  	_ =	shalt  }
0x61: {  	_ =	shalt  }
0x62: {  	_ =	shalt  }
0x63: {  	_ =	shalt  }
0x64: {  	_ =	shalt  }
0x65: {  	_ =	shalt  }
0x66: {  	_ =	shalt  }
0x67: {  	_ =	shalt  }
0x68: {  	_ =	shalt  }
0x69: {  	_ =	shalt  }
0x6a: {  	_ =	shalt  }
0x6b: {  	_ =	shalt  }
0x6c: {  	_ =	shalt  }
0x6d: {  	_ =	shalt  }
0x6e: {  	_ =	shalt  }
0x6f: {  	_ =	shalt  }
0x70: {  	_ =	shalt  }
0x71: {  	_ =	shalt  }
0x72: {  	_ =	shalt  }
0x73: {  	_ =	shalt  }
0x74: {  	_ =	shalt  }
0x75: {  	_ =	shalt  }
0x76: {  	_ =	shalt  }
0x77: {  	_ =	shalt  }
0x78: {  	_ =	shalt  }
0x79: {  	_ =	shalt  }
0x7a: {  	_ =	shalt  }
0x7b: {  	_ =	shalt  }
0x7c: {  	_ =	shalt  }
0x7d: {  	_ =	shalt  }
0x7e: {  	_ =	shalt  }
0x7f: {  	_ =	shalt  }
0x80: {  	_ =	shalt  }
0x81: {  	_ =	shalt  }
0x82: {  	_ =	shalt  }
0x83: {  	_ =	shalt  }
0x84: {  	_ =	shalt  }
0x85: {  	_ =	shalt  }
0x86: {  	_ =	shalt  }
0x87: {  	_ =	shalt  }
.Lfunc_end0:
.L_simem_size_0:
called_computation_lowered:
.L_overlay_start_0:
0x88: {  	s2 =	sld [smem:$0x3FD9]  }
0x89: {  	s3 =	sld [smem:$0x3FFE];
	_ =	sdelay $0x1  }
0x8a: {  	s1 =	srdreg.scid  }
0x8b: {  	s0 =	sand.u32 $0x1, s1  }
0x8c: {  	s14 =	sshll.u32 s0, $0xA;
	s2 =	sadd.s32 s3, s2  }
0x8d: {  	s2 =	sadd.s32 s2, s14  }
0x8e: {  	[smem:$0x3FC6] =	sst s2  }
0x8f: {  	_ = 	snop  }
0x90: {  	s2 =	sld [smem:$0x3FD0];
	_ =	sdelay $0x2  }
0x91: {  	s15 =	simm.s32 $0xA;
	s4 =	simm.s32 $0x10  }
0x92: {  	[smem:s4], [sflag:s15] =	dma.local [hbm:s2], $0x1  }
0x93: {  	_ =	swait.eq [sflag:s15], $0x1  }
0x94: {  	[sflag:s15] =	ssyncset.done $0x0  }
0x95: {  	s16 =	sld [smem:$0x10];
	[sflag:s15] =	ssyncadd.s32 $0xFFFFFFFF  }
0x96: {  	s17 =	sld [smem:$0x12];
	(tm) =	ssettm $0x1  }
0x97: {  	s18 =	sld [smem:$0x3FFB];
	_ =	sdelay $0x3  }
0x98: {  	_ =	strace s18  }
0x99: {  	s4 =	sld [smem:$0x3FFC];
	_ =	sdelay $0x3  }
0x9a: {  	_ =	strace s4  }
0x9b: {  	s4 =	sld [smem:$0x3FFD];
	_ =	sdelay $0x3  }
0x9c: {  	_ =	strace s4  }
0x9d: {  	_ =	strace $0x8FFFFFFF  }
0x9e: {  	s19 =	sld [smem:$0x3FDB];
	_ =	sdelay $0x1  }
0x9f: {  	s5 =	simm.s32 $_scs_section_size  }
0xa0: {  	s6 =	simm.s32 $_size__tile_overlayer_lowered;
	s7 =	simm.s32 $_tile_overlayer_lowered  }
0xa1: {  	s22 =	simm.s32 $0x1BFF;
	s21 =	sshll.u32 s7, $0x1;
	s4 =	sadd.s32 s5, s19  }
0xa2: {  	s8 =	simm.s32 $0x0;
	s20 =	sshll.u32 s6, $0x1;
	s6 =	sadd.s32 s21, s4  }
0xa3: {  	[timem:s8], [sflag:s22] =	dma.local [hbm:s6], s20  }
0xa4: {  	_ =	swait.ge [sflag:s22], s20  }
0xa5: {  	s5 =	ssub.s32 $0x0, s20;
	[sflag:s22] =	ssyncset.done $0x0  }
0xa6: {  	[sflag:s22] =	ssyncadd.s32 s5;
	_ =	sdelay $0x1  }
0xa7: {  	s23 =	simm.s32 $0x1B8B  }
0xa8: {  	_ =	swait.ge [sflag:s23], $0x1  }
0xa9: {  	[sflag:s23] =	ssyncset.done $0x0  }
0xaa: {  	s25 =	simm.s32 $0x1B8E;
	s24 =	sld [smem:$0x3FFE];
	[sflag:s23] =	ssyncadd.s32 $0xFFFFFFFF  }
0xab: {  	s26 =	simm.s32 $execute0_lowered;
	[smem:$0x3FD2] =	sst s25  }
0xac: {  	s6 =	sshll.u32 s26, $0x1;
	_ =	strace $0x80000046;
	[dreg:$0x1] =	wrdreg $0xFFFFFFFF  }
0xad: {  	s28 =	simm.s32 $_size_execute0_lowered;
	s4 =	sadd.s32 s4, s6;
	[dreg:$0x0] =	wrdreg $0x0  }
0xae: {  	s6 =	sshll.u32 s28, $0x1;
	[dreg:$0x2] =	wrdreg s4  }
0xaf: {  	[dreg:$0x3] =	wrdreg s6  }
0xb0: {  	[dreg:$0x4] =	wrdreg $0xC0  }
0xb1: {  	_ =	task [dreg:s8], $0x5FFFF  }
0xb2: {  	[dreg:$0x1] =	wrdreg $0xFFFFFFFF  }
0xb3: {  	[dreg:$0x0] =	wrdreg $0x60  }
0xb4: {  	[dreg:$0x2] =	wrdreg s24  }
0xb5: {  	[dreg:$0x3] =	wrdreg s17  }
0xb6: {  	[dreg:$0x4] =	wrdreg s16  }
0xb7: {  	[dreg:$0x5] =	wrdreg $0x9  }
0xb8: {  	_ =	task.clear_ibuf [dreg:s8], $0x6FFFF;
	_ =	strace $0x90000046  }
0xb9: {  	s29 =	simm.s32 $0x9;
	_ =	strace $0x80000048  }
0xba: {  	_ =	swait.ge [sflag:s29], $0x1  }
0xbb: {  	[sflag:s29] =	ssyncadd.s32 $0xFFFFFFFF  }
0xbc: {  	_ =	strace $0x90000048  }
0xbd: {  	_ =	sfence  }
0xbe: {  	s30 =	sld [smem:$0x0];
	_ =	sdelay $0x2  }
0xbf: {  	s31 =	sshll.u32 s1, $0xD;
	s1 =	sshrl.u32 s1, $0x2  }
0xc0: {  	s3 =	sand.u32 $0x4000, s31;
	s1 =	sadd.s32 s1, s30  }
0xc1: {  	s0 =	sor.u32 s3, s0;
	s1 =	sshll.u32 s1, $0x11  }
0xc2: {  	s0 =	sor.u32 s1, s0  }
0xc3: {  	s0 =	sadd.s32 $0x8F2B, s0  }
0xc4: {  	[sflag:s0] =	ssyncadd.remote.s32 $0x1  }
0xc5: {  	_ =	sfence.sel $0xFFFF  }
0xc6: {  	[dreg:$0x0] =	wrdreg $0xFFFFFFFF;
	(pc) =	sbr.abs _section_cstart, $3  }
0xc7: {  	[dreg:$0x1] =	wrdreg $0xFFFFFFFF  }
0xc8: {  	_ =	task.clear_ibuf [dreg:s8], $0x2FFFF;
	_ =	strace $0x9FFFFFFF  }
0xc9: {  	(tm) =	ssettm $0x7FFFFFFF  }
tec
execute0_lowered:
.L_overlay_start_1:
0x0: {  	(tag) =	ssettag $0x1  }
0x1: {  	s1 =	srdreg.scid;
	s0 =	stileid.u32  }
0x2: {  	s5 =	rddreg [dreg:$0x0];
	s9 =	sand.u32 $0x1, s1;
	s29 =	sshll.u32 s0, $0x1  }
0x3: {  	s10 =	rddreg [dreg:$0x1];
	s11 =	sor.u32 s9, s29  }
0x4: {  	s12 =	rddreg [dreg:$0x2];
	s3 =	smul.u32 $0x12, s11  }
0x5: {  	s2 =	simm.s32 $0x0;
	s1 =	rddreg [dreg:$0x3]  }
0x6: {  	[smem:$0x7FF] =	sst s2;
	s3 =	sadd.s32 s3, s5  }
0x7: {  	_ =	strace $0x80000047;
	s4 =	sadd.s32 $0x2800, s3;
	s3 =	simm.s32 $0x2  }
0x8: {  	[tilespmem:s2], [sflag:$0x2] =	stream.linear.gather [hbm4b:s4+s2], $0x90, $0x38;
	[tilespmem:$0x4900] =	vst v63  }
0x9: {  	s6 =	simm.s32 $0x90;
	_ =	swait.ge [sflag:s3], $0x90  }
0xa: {  	s7 =	simm.s32 $0x100;
	s8 =	simm.s32 $0x1;
	[sflag:s3] =	ssyncset.done $0x0  }
0xb: {  	s13 =	ssub.s32 $0x2, s9;
	s5 =	sadd.s32 $0x800, s5;
	[sflag:s3] =	ssyncadd.s32 $0xFFFFFF70  }
0xc: {  	[tilespmem:s7], [sflag:$0x1] =	stream.indirect.gather [hbm4b:s5+s6], $0x80, s2, s6, $0xb8;
	[tilespmem:$0x4900] =	vst v63  }
0xd: {  	s11 =	smul.u32 $0x900, s11;
	s30 =	sshrl.u32 s13, $0x1;
	_ =	swait.ge [sflag:s8], $0x4800  }
0xe: {  	s13 =	ssub.s32 s13, s30;
	[sflag:s8] =	ssyncset.done $0x0  }
0xf: {  	s9 =	sadd.s32 s10, s11;
	s31 =	smax.u32 s13, $0x1;
	[sflag:s8] =	ssyncadd.s32 $0xFFFFB800  }
0x10: {  	[hbm4b:s9+s2] =	stream.linear.scatter [tilespmem:s7], [sflag:$0x2], $0x4800, $0x38;
	[tilespmem:$0x4900] =	vst v63  }
0x11: {  	p0 =	sne.s32 s31, $0x1;
	_ =	swait.ge [sflag:s3], $0x4800  }
.Ltmp0:
0x12: {  	[sflag:s3] =	ssyncset.done $0x0;
	(pc) =	sbr.rel @!p0 .LBB2_2-.Ltmp0, $4  }
0x13: {  	s10 =	sadd.s32 s12, s11;
	[sflag:s3] =	ssyncadd.s32 $0xFFFFB800  }
0x14: {  	[hbm4b:s10+s2] =	stream.linear.scatter [tilespmem:s7], [sflag:$0x2], $0x4800, $0x38;
	[tilespmem:$0x4900] =	vst v63  }
0x15: {  	_ =	swait.ge [sflag:s3], $0x4800  }
0x16: {  	s11 =	sadd.s32 $0xFFFFFFFF, s31;
	[sflag:s3] =	ssyncset.done $0x0  }
.LBB2_1:
0x17: {  	p0 =	sne.s32 s11, $0x1;
	s11 =	sadd.s32 $0xFFFFFFFF, s11;
	[sflag:s3] =	ssyncadd.s32 $0xFFFFB800  }
0x18: {  	[tilespmem:s2], [sflag:$0x2] =	stream.linear.gather [hbm4b:s4+s2], $0x90, $0x38;
	[tilespmem:$0x4900] =	vst v63  }
0x19: {  	_ =	swait.ge [sflag:s3], $0x90  }
0x1a: {  	[sflag:s3] =	ssyncset.done $0x0  }
0x1b: {  	[sflag:s3] =	ssyncadd.s32 $0xFFFFFF70  }
0x1c: {  	[tilespmem:s7], [sflag:$0x1] =	stream.indirect.gather [hbm4b:s5+s6], $0x80, s2, s6, $0xb8;
	[tilespmem:$0x4900] =	vst v63  }
0x1d: {  	_ =	swait.ge [sflag:s8], $0x4800  }
0x1e: {  	[sflag:s8] =	ssyncset.done $0x0  }
0x1f: {  	[sflag:s8] =	ssyncadd.s32 $0xFFFFB800  }
0x20: {  	[hbm4b:s9+s2] =	stream.linear.scatter [tilespmem:s7], [sflag:$0x2], $0x4800, $0x38;
	[tilespmem:$0x4900] =	vst v63  }
0x21: {  	_ =	swait.ge [sflag:s3], $0x4800  }
.Ltmp1:
0x22: {  	[sflag:s3] =	ssyncset.done $0x0;
	(pc) =	sbr.rel @p0 .LBB2_1-.Ltmp1, $4  }
0x23: {  	[sflag:s3] =	ssyncadd.s32 $0xFFFFB800  }
0x24: {  	[hbm4b:s10+s2] =	stream.linear.scatter [tilespmem:s7], [sflag:$0x2], $0x4800, $0x38;
	[tilespmem:$0x4900] =	vst v63  }
0x25: {  	_ =	swait.ge [sflag:s3], $0x4800  }
0x26: {  	[sflag:s3] =	ssyncset.done $0x0  }
.LBB2_2:
0x27: {  	[sflag:s3] =	ssyncadd.s32 $0xFFFFB800  }
0x28: {  	_ =	sfence.sel $0x180000  }
0x29: {  	[bflag:$0x0] =	sbarrier.arrive $0xFFFF  }
0x2a: {  	p0 =	sne.s32 s0, $0x0;
	_ =	strace $0x90000047  }
0x2b: {  	s0 =	sadd.s32 @!p0 $0x100000, s1;
	[bflag:$0x2] =	sbarrier.arrive $0xFFFF  }
0x2c: {  	[sflag:s0] =	ssyncadd.tile.s32 @!p0 $0x1;
	_ =	shalt  }
.Lfunc_end2:
_tile_overlayer_lowered:
.L_overlay_start_2:
0x2d: {  	(tag) =	ssettag $0x2  }
0x2e: {  	s0 =	rddreg [dreg:$0x0];
	s2 =	stileid.u32  }
0x2f: {  	s1 =	rddreg [dreg:$0x1];
	p0 =	sne.s32 s2, $0x0  }
0x30: {  	s3 =	rddreg [dreg:$0x2];
	[bflag:$0x3] =	sbarrier.arrive $0xFFFF;
	s2 =	simm.s32 @!p0 $0x1C02  }
0x31: {  	[timem:s3], [sflag:s2] =	dma.local @!p0 [hbm:s0], s1  }
0x32: {  	s0 =	simm.s32 @!p0 $0x2  }
0x33: {  	_ =	swait.ge @!p0 [sflag:s0], s1  }
0x34: {  	s1 =	ssub.s32 @!p0 $0x0, s1;
	[sflag:s0] =	ssyncset.done @!p0 $0x0  }
0x35: {  	[sflag:s0] =	ssyncadd.s32 @!p0 s1  }
0x36: {  	[bflag:$0x3] =	sbarrier.arrive $0xFFFF  }
0x37: {  	_ =	shalt  }

</sc_bundles>
